<compile_context>
chip_gen: v7x
topology: tpu7x:2x2x1
jax: 0.10.2.dev20260603
libtpu: 0.0.44.dev20260713+nightly
codegen_flags: <defaults>
</compile_context>

<pallas_src>
import math

import jax
import jax.numpy as jnp
from jax import lax
from jax.experimental import pallas as pl
from jax.experimental.pallas import tpu as pltpu
from jax.experimental.pallas import tpu_sc as plsc

VOCAB = 1000000
D = 64
DP = 128
BATCH = 4096
SEQ = 200
SCALE = math.sqrt(D)

NC = 2
NS = 16
NW = NC * NS
BW_ = BATCH // NW

TBLK = 8192


def _tpose_in_kernel(t_ref, o_ref):
    o_ref[:, 0:D] = t_ref[...].T


def _tpose_in(tt):
    return pl.pallas_call(
        _tpose_in_kernel,
        grid=(pl.cdiv(VOCAB, TBLK),),
        in_specs=[pl.BlockSpec((D, TBLK), lambda i: (0, i))],
        out_specs=pl.BlockSpec((TBLK, DP), lambda i: (i, 0)),
        out_shape=jax.ShapeDtypeStruct((VOCAB, DP), jnp.float32),
    )(tt)


def _tpose_out_kernel(g_ref, o_ref):
    v = g_ref[0]
    o_ref[0] = v[:, 0:D].T * SCALE


def _tpose_out(g3):
    return pl.pallas_call(
        _tpose_out_kernel,
        grid=(SEQ, 2),
        in_specs=[pl.BlockSpec((1, BATCH // 2, DP), lambda s, j: (s, j, 0))],
        out_specs=pl.BlockSpec((1, D, BATCH // 2), lambda s, j: (s, 0, j)),
        out_shape=jax.ShapeDtypeStruct((SEQ, D, BATCH), jnp.float32),
    )(g3)


def _embed_kernel(xt_hbm, tpad_hbm, g3_hbm,
                  idx_v, rows_v0, rows_v1,
                  gsem0, gsem1, osem0, osem1):
    wid = lax.axis_index("s") * NC + lax.axis_index("c")
    b0 = wid * BW_

    pltpu.sync_copy(xt_hbm.at[:, pl.ds(b0, BW_)], idx_v)

    def fire_gather(s, rows_vb, gsemb):
        pltpu.async_copy(tpad_hbm.at[idx_v.at[s]], rows_vb, gsemb)

    def wait_gather(rows_vb, gsemb):
        pltpu.make_async_copy(tpad_hbm.at[pl.ds(0, BW_)], rows_vb, gsemb).wait()

    def fire_store(s, rows_vb, osemb):
        pltpu.async_copy(rows_vb, g3_hbm.at[s, pl.ds(b0, BW_)], osemb)

    def wait_store(rows_vb, osemb):
        pltpu.make_async_copy(rows_vb, g3_hbm.at[0, pl.ds(b0, BW_)],
                              osemb).wait()

    fire_gather(0, rows_v0, gsem0)

    def pair_body(g, _):
        for b in range(2):
            s = 2 * g + b
            if b == 0:
                cur_rows, cur_g, cur_o = rows_v0, gsem0, osem0
                nxt_rows, nxt_g, nxt_o = rows_v1, gsem1, osem1
            else:
                cur_rows, cur_g, cur_o = rows_v1, gsem1, osem1
                nxt_rows, nxt_g, nxt_o = rows_v0, gsem0, osem0

            @pl.when(s + 1 < SEQ)
            def _():
                @pl.when(s >= 1)
                def _():
                    wait_store(nxt_rows, nxt_o)
                fire_gather(s + 1, nxt_rows, nxt_g)

            wait_gather(cur_rows, cur_g)
            fire_store(s, cur_rows, cur_o)
        return 0

    lax.fori_loop(0, SEQ // 2, pair_body, 0)
    wait_store(rows_v0, osem0)
    wait_store(rows_v1, osem1)


@jax.jit
def kernel(x, table):
    tt = jnp.transpose(table)
    xt = jnp.transpose(x).astype(jnp.int32)
    tpad = _tpose_in(tt)
    mesh = plsc.VectorSubcoreMesh(
        core_axis_name="c", subcore_axis_name="s", num_cores=NC, num_subcores=NS
    )
    g3 = pl.kernel(
        _embed_kernel,
        out_type=jax.ShapeDtypeStruct((SEQ, BATCH, DP), jnp.float32),
        mesh=mesh,
        scratch_types=[
            pltpu.VMEM((SEQ, BW_), jnp.int32),
            pltpu.VMEM((BW_, DP), jnp.float32),
            pltpu.VMEM((BW_, DP), jnp.float32),
            pltpu.SemaphoreType.DMA,
            pltpu.SemaphoreType.DMA,
            pltpu.SemaphoreType.DMA,
            pltpu.SemaphoreType.DMA,
        ],
    )(xt, tpad)
    out_t = _tpose_out(g3)
    return jnp.transpose(out_t, (2, 0, 1))

# --- scband reference (transcript-rebuilt; emitter-appended) ---
"""Pipeline reference for scband-input-embedding-6116033430014 (READ-ONLY COPY).

The authoritative reference and input builder live on the scoring server;
editing this copy changes nothing except your own understanding.
"""

import math
import jax, jax.numpy as jnp
import numpy as np

VOCAB = 1000000
D_MODEL = 64
BATCH = 4096
SEQ = 200

def setup_inputs(seed: int = 0) -> dict:
    key = jax.random.key(seed)
    k_idx, k_tab = jax.random.split(key)
    x = jax.random.randint(k_idx, (BATCH, SEQ), 0, VOCAB, dtype=jnp.int64 if jax.config.jax_enable_x64 else jnp.int32)
    table = jax.random.normal(k_tab, (VOCAB, D_MODEL), dtype=jnp.float32)
    return {"x": x, "table": table}

def reference(x, table):
    # InputEmbedding.forward: embedding lookup scaled by sqrt(d_model)
    emb = jnp.take(table, x, axis=0)
    return emb * math.sqrt(D_MODEL)

if __name__ == "__main__":
    import jax
    _d = setup_inputs()
    print(jax.jit(kernel)(*tuple(_d.values())))

</pallas_src>

<mosaic_0001>
#map = affine_map<(d0, d1) -> (0, 0)>
#map1 = affine_map<(d0, d1) -> (0, 0, 0)>
module attributes {stable_mosaic.version = 14 : i64} {
  func.func @_embed_kernel(%arg0: i32, %arg1: i32, %arg2: memref<200x4096xi32, #tpu.memory_space<hbm>>, %arg3: memref<1000000x128xf32, #tpu.memory_space<hbm>>, %arg4: memref<200x4096x128xf32, #tpu.memory_space<hbm>>, %arg5: memref<200x128xi32, #tpu.memory_space<vmem>>, %arg6: memref<128x128xf32, #tpu.memory_space<vmem>>, %arg7: memref<128x128xf32, #tpu.memory_space<vmem>>, %arg8: memref<!tpu.dma_semaphore, #tpu.memory_space<semaphore_mem>>, %arg9: memref<!tpu.dma_semaphore, #tpu.memory_space<semaphore_mem>>, %arg10: memref<!tpu.dma_semaphore, #tpu.memory_space<semaphore_mem>>, %arg11: memref<!tpu.dma_semaphore, #tpu.memory_space<semaphore_mem>>) attributes {dimension_semantics = [#tpu.dimension_semantics<core_parallel>, #tpu.dimension_semantics<subcore_parallel>], iteration_bounds = array<i64: 2, 16>, scalar_prefetch = 0 : i64, scratch_operands = 7 : i64, tpu.core_type = #tpu.core_type<sc_vector_subcore>, window_params = [{transform_indices = #map}, {transform_indices = #map}, {transform_indices = #map1}]} {
    %mul3A = arith.constant 2 : i32
    %mul3A_0 = arith.muli %arg1, %mul3A : i32
    %add3A = arith.addi %mul3A_0, %arg0 : i32
    %mul3A_1 = arith.constant 128 : i32
    %mul3A_2 = arith.muli %add3A, %mul3A_1 : i32
    "tpu.region"() ({
      %run_scoped3A = tpu.sem_alloc : memref<!tpu.dma_semaphore, #tpu.memory_space<semaphore_mem>>
      %dma_start3A_28 = arith.constant 0 : i32
      %dma_start3A_29 = tpu.memref_slice %arg2[%dma_start3A_28, %mul3A_2] : memref<200x4096xi32, #tpu.memory_space<hbm>> -> memref<200x128xi32, #tpu.memory_space<hbm>>
      %dma_start3A_30 = arith.constant 0 : i32
      %dma_start3A_31 = tpu.memref_slice %arg2[%dma_start3A_30, %mul3A_2] : memref<200x4096xi32, #tpu.memory_space<hbm>> -> memref<200x128xi32, #tpu.memory_space<hbm>>
      tpu.enqueue_dma source(%dma_start3A_31 : memref<200x128xi32, #tpu.memory_space<hbm>>) target(%arg5 : memref<200x128xi32, #tpu.memory_space<vmem>>) target_semaphore(%run_scoped3A : memref<!tpu.dma_semaphore, #tpu.memory_space<semaphore_mem>>)
      %dma_wait3A_32 = arith.constant 0 : i32
      %dma_wait3A_33 = tpu.memref_slice %arg2[%dma_wait3A_32, %mul3A_2] : memref<200x4096xi32, #tpu.memory_space<hbm>> -> memref<200x128xi32, #tpu.memory_space<hbm>>
      %dma_wait3A_34 = arith.constant 0 : i32
      %dma_wait3A_35 = tpu.memref_slice %arg2[%dma_wait3A_34, %mul3A_2] : memref<200x4096xi32, #tpu.memory_space<hbm>> -> memref<200x128xi32, #tpu.memory_space<hbm>>
      tpu.wait_dma2 semaphore(%run_scoped3A : memref<!tpu.dma_semaphore, #tpu.memory_space<semaphore_mem>>) src(%dma_wait3A_35 : memref<200x128xi32, #tpu.memory_space<hbm>>) dst(%arg5 : memref<200x128xi32, #tpu.memory_space<vmem>>)
      tpu.yield
    }) : () -> ()
    %dma_start3A = arith.constant 0 : i32
    %dma_start3A_3 = arith.constant 0 : i32
    %dma_start3A_4 = tpu.memref_slice %arg5[%dma_start3A, %dma_start3A_3] : memref<200x128xi32, #tpu.memory_space<vmem>> -> memref<1x128xi32, #tpu.memory_space<vmem>>
    %dma_start3A_5 = tpu.memref_squeeze %dma_start3A_4 : memref<1x128xi32, #tpu.memory_space<vmem>> -> memref<128xi32, #tpu.memory_space<vmem>>
    %dma_start3A_6 = arith.constant 0 : i32
    %dma_start3A_7 = arith.constant 0 : i32
    %dma_start3A_8 = tpu.memref_slice %arg3[%dma_start3A_6, %dma_start3A_7] : memref<1000000x128xf32, #tpu.memory_space<hbm>> -> memref<1000000x128xf32, #tpu.memory_space<hbm>>
    tpu.enqueue_indirect_dma source(%dma_start3A_8 : memref<1000000x128xf32, #tpu.memory_space<hbm>>) target(%arg6 : memref<128x128xf32, #tpu.memory_space<vmem>>) offsets(%dma_start3A_5 : memref<128xi32, #tpu.memory_space<vmem>>) semaphore(%arg8 : memref<!tpu.dma_semaphore, #tpu.memory_space<semaphore_mem>>)
    %scan3A = arith.constant 0 : i32
    %scan3A_9 = arith.constant 0 : i32
    %scan3A_10 = arith.constant 100 : i32
    %scan3A_11 = arith.addi %scan3A_9, %scan3A_10 : i32
    %scan3A_12 = arith.constant 1 : i32
    %scan3A_13 = scf.for %scan3A_28 = %scan3A_9 to %scan3A_11 step %scan3A_12 iter_args(%scan3A_29 = %scan3A) -> (i32)  : i32 {
      %mul3A_30 = arith.constant 2 : i32
      %mul3A_31 = arith.muli %mul3A_30, %scan3A_28 : i32
      %add3A_32 = arith.constant 0 : i32
      %add3A_33 = arith.addi %mul3A_31, %add3A_32 : i32
      %add3A_34 = arith.constant 1 : i32
      %add3A_35 = arith.addi %add3A_33, %add3A_34 : i32
      %lt3A = arith.constant 200 : i32
      %lt3A_36 = arith.cmpi slt, %add3A_35, %lt3A : i32
      %convert_element_type3A = arith.extui %lt3A_36 : i1 to i32
      %cond3A = arith.constant 0 : i32
      %cond3A_37 = arith.cmpi ne, %convert_element_type3A, %cond3A : i32
      scf.if %cond3A_37 {
        %ge3A = arith.constant 1 : i32
        %ge3A_74 = arith.cmpi sge, %add3A_33, %ge3A : i32
        %convert_element_type3A_75 = arith.extui %ge3A_74 : i1 to i32
        %cond3A_76 = arith.constant 0 : i32
        %cond3A_77 = arith.cmpi ne, %convert_element_type3A_75, %cond3A_76 : i32
        scf.if %cond3A_77 {
          %dma_wait3A_86 = arith.constant 0 : i32
          %dma_wait3A_87 = arith.constant 0 : i32
          %dma_wait3A_88 = tpu.memref_slice %arg4[%dma_wait3A_86, %mul3A_2, %dma_wait3A_87] : memref<200x4096x128xf32, #tpu.memory_space<hbm>> -> memref<1x128x128xf32, #tpu.memory_space<hbm>>
          %dma_wait3A_89 = tpu.memref_squeeze %dma_wait3A_88 : memref<1x128x128xf32, #tpu.memory_space<hbm>> -> memref<128x128xf32, #tpu.memory_space<hbm>>
          %dma_wait3A_90 = arith.constant 0 : i32
          %dma_wait3A_91 = tpu.memref_slice %arg4[%dma_wait3A_86, %mul3A_2, %dma_wait3A_90] : memref<200x4096x128xf32, #tpu.memory_space<hbm>> -> memref<1x128x128xf32, #tpu.memory_space<hbm>>
          %dma_wait3A_92 = tpu.memref_squeeze %dma_wait3A_91 : memref<1x128x128xf32, #tpu.memory_space<hbm>> -> memref<128x128xf32, #tpu.memory_space<hbm>>
          tpu.wait_dma2 semaphore(%arg11 : memref<!tpu.dma_semaphore, #tpu.memory_space<semaphore_mem>>) src(%arg7 : memref<128x128xf32, #tpu.memory_space<vmem>>) dst(%dma_wait3A_92 : memref<128x128xf32, #tpu.memory_space<hbm>>)
        } else {
        }
        %add3A_78 = arith.constant 1 : i32
        %add3A_79 = arith.addi %add3A_33, %add3A_78 : i32
        %dma_start3A_80 = arith.constant 0 : i32
        %dma_start3A_81 = tpu.memref_slice %arg5[%add3A_79, %dma_start3A_80] : memref<200x128xi32, #tpu.memory_space<vmem>> -> memref<1x128xi32, #tpu.memory_space<vmem>>
        %dma_start3A_82 = tpu.memref_squeeze %dma_start3A_81 : memref<1x128xi32, #tpu.memory_space<vmem>> -> memref<128xi32, #tpu.memory_space<vmem>>
        %dma_start3A_83 = arith.constant 0 : i32
        %dma_start3A_84 = arith.constant 0 : i32
        %dma_start3A_85 = tpu.memref_slice %arg3[%dma_start3A_83, %dma_start3A_84] : memref<1000000x128xf32, #tpu.memory_space<hbm>> -> memref<1000000x128xf32, #tpu.memory_space<hbm>>
        tpu.enqueue_indirect_dma source(%dma_start3A_85 : memref<1000000x128xf32, #tpu.memory_space<hbm>>) target(%arg7 : memref<128x128xf32, #tpu.memory_space<vmem>>) offsets(%dma_start3A_82 : memref<128xi32, #tpu.memory_space<vmem>>) semaphore(%arg9 : memref<!tpu.dma_semaphore, #tpu.memory_space<semaphore_mem>>)
      } else {
      }
      %dma_wait3A_38 = arith.constant 0 : i32
      %dma_wait3A_39 = arith.constant 0 : i32
      %dma_wait3A_40 = tpu.memref_slice %arg3[%dma_wait3A_38, %dma_wait3A_39] : memref<1000000x128xf32, #tpu.memory_space<hbm>> -> memref<128x128xf32, #tpu.memory_space<hbm>>
      %dma_wait3A_41 = arith.constant 0 : i32
      %dma_wait3A_42 = arith.constant 0 : i32
      %dma_wait3A_43 = tpu.memref_slice %arg3[%dma_wait3A_41, %dma_wait3A_42] : memref<1000000x128xf32, #tpu.memory_space<hbm>> -> memref<128x128xf32, #tpu.memory_space<hbm>>
      tpu.wait_dma2 semaphore(%arg8 : memref<!tpu.dma_semaphore, #tpu.memory_space<semaphore_mem>>) src(%dma_wait3A_43 : memref<128x128xf32, #tpu.memory_space<hbm>>) dst(%arg6 : memref<128x128xf32, #tpu.memory_space<vmem>>)
      %dma_start3A_44 = arith.constant 0 : i32
      %dma_start3A_45 = tpu.memref_slice %arg4[%add3A_33, %mul3A_2, %dma_start3A_44] : memref<200x4096x128xf32, #tpu.memory_space<hbm>> -> memref<1x128x128xf32, #tpu.memory_space<hbm>>
      %dma_start3A_46 = tpu.memref_squeeze %dma_start3A_45 : memref<1x128x128xf32, #tpu.memory_space<hbm>> -> memref<128x128xf32, #tpu.memory_space<hbm>>
      %dma_start3A_47 = arith.constant 0 : i32
      %dma_start3A_48 = tpu.memref_slice %arg4[%add3A_33, %mul3A_2, %dma_start3A_47] : memref<200x4096x128xf32, #tpu.memory_space<hbm>> -> memref<1x128x128xf32, #tpu.memory_space<hbm>>
      %dma_start3A_49 = tpu.memref_squeeze %dma_start3A_48 : memref<1x128x128xf32, #tpu.memory_space<hbm>> -> memref<128x128xf32, #tpu.memory_space<hbm>>
      tpu.enqueue_dma source(%arg6 : memref<128x128xf32, #tpu.memory_space<vmem>>) target(%dma_start3A_49 : memref<128x128xf32, #tpu.memory_space<hbm>>) target_semaphore(%arg10 : memref<!tpu.dma_semaphore, #tpu.memory_space<semaphore_mem>>)
      %mul3A_50 = arith.constant 2 : i32
      %mul3A_51 = arith.muli %mul3A_50, %scan3A_28 : i32
      %add3A_52 = arith.constant 1 : i32
      %add3A_53 = arith.addi %mul3A_51, %add3A_52 : i32
      %add3A_54 = arith.constant 1 : i32
      %add3A_55 = arith.addi %add3A_53, %add3A_54 : i32
      %lt3A_56 = arith.constant 200 : i32
      %lt3A_57 = arith.cmpi slt, %add3A_55, %lt3A_56 : i32
      %convert_element_type3A_58 = arith.extui %lt3A_57 : i1 to i32
      %cond3A_59 = arith.constant 0 : i32
      %cond3A_60 = arith.cmpi ne, %convert_element_type3A_58, %cond3A_59 : i32
      scf.if %cond3A_60 {
        %ge3A = arith.constant 1 : i32
        %ge3A_74 = arith.cmpi sge, %add3A_53, %ge3A : i32
        %convert_element_type3A_75 = arith.extui %ge3A_74 : i1 to i32
        %cond3A_76 = arith.constant 0 : i32
        %cond3A_77 = arith.cmpi ne, %convert_element_type3A_75, %cond3A_76 : i32
        scf.if %cond3A_77 {
          %dma_wait3A_86 = arith.constant 0 : i32
          %dma_wait3A_87 = arith.constant 0 : i32
          %dma_wait3A_88 = tpu.memref_slice %arg4[%dma_wait3A_86, %mul3A_2, %dma_wait3A_87] : memref<200x4096x128xf32, #tpu.memory_space<hbm>> -> memref<1x128x128xf32, #tpu.memory_space<hbm>>
          %dma_wait3A_89 = tpu.memref_squeeze %dma_wait3A_88 : memref<1x128x128xf32, #tpu.memory_space<hbm>> -> memref<128x128xf32, #tpu.memory_space<hbm>>
          %dma_wait3A_90 = arith.constant 0 : i32
          %dma_wait3A_91 = tpu.memref_slice %arg4[%dma_wait3A_86, %mul3A_2, %dma_wait3A_90] : memref<200x4096x128xf32, #tpu.memory_space<hbm>> -> memref<1x128x128xf32, #tpu.memory_space<hbm>>
          %dma_wait3A_92 = tpu.memref_squeeze %dma_wait3A_91 : memref<1x128x128xf32, #tpu.memory_space<hbm>> -> memref<128x128xf32, #tpu.memory_space<hbm>>
          tpu.wait_dma2 semaphore(%arg10 : memref<!tpu.dma_semaphore, #tpu.memory_space<semaphore_mem>>) src(%arg6 : memref<128x128xf32, #tpu.memory_space<vmem>>) dst(%dma_wait3A_92 : memref<128x128xf32, #tpu.memory_space<hbm>>)
        } else {
        }
        %add3A_78 = arith.constant 1 : i32
        %add3A_79 = arith.addi %add3A_53, %add3A_78 : i32
        %dma_start3A_80 = arith.constant 0 : i32
        %dma_start3A_81 = tpu.memref_slice %arg5[%add3A_79, %dma_start3A_80] : memref<200x128xi32, #tpu.memory_space<vmem>> -> memref<1x128xi32, #tpu.memory_space<vmem>>
        %dma_start3A_82 = tpu.memref_squeeze %dma_start3A_81 : memref<1x128xi32, #tpu.memory_space<vmem>> -> memref<128xi32, #tpu.memory_space<vmem>>
        %dma_start3A_83 = arith.constant 0 : i32
        %dma_start3A_84 = arith.constant 0 : i32
        %dma_start3A_85 = tpu.memref_slice %arg3[%dma_start3A_83, %dma_start3A_84] : memref<1000000x128xf32, #tpu.memory_space<hbm>> -> memref<1000000x128xf32, #tpu.memory_space<hbm>>
        tpu.enqueue_indirect_dma source(%dma_start3A_85 : memref<1000000x128xf32, #tpu.memory_space<hbm>>) target(%arg6 : memref<128x128xf32, #tpu.memory_space<vmem>>) offsets(%dma_start3A_82 : memref<128xi32, #tpu.memory_space<vmem>>) semaphore(%arg8 : memref<!tpu.dma_semaphore, #tpu.memory_space<semaphore_mem>>)
      } else {
      }
      %dma_wait3A_61 = arith.constant 0 : i32
      %dma_wait3A_62 = arith.constant 0 : i32
      %dma_wait3A_63 = tpu.memref_slice %arg3[%dma_wait3A_61, %dma_wait3A_62] : memref<1000000x128xf32, #tpu.memory_space<hbm>> -> memref<128x128xf32, #tpu.memory_space<hbm>>
      %dma_wait3A_64 = arith.constant 0 : i32
      %dma_wait3A_65 = arith.constant 0 : i32
      %dma_wait3A_66 = tpu.memref_slice %arg3[%dma_wait3A_64, %dma_wait3A_65] : memref<1000000x128xf32, #tpu.memory_space<hbm>> -> memref<128x128xf32, #tpu.memory_space<hbm>>
      tpu.wait_dma2 semaphore(%arg9 : memref<!tpu.dma_semaphore, #tpu.memory_space<semaphore_mem>>) src(%dma_wait3A_66 : memref<128x128xf32, #tpu.memory_space<hbm>>) dst(%arg7 : memref<128x128xf32, #tpu.memory_space<vmem>>)
      %dma_start3A_67 = arith.constant 0 : i32
      %dma_start3A_68 = tpu.memref_slice %arg4[%add3A_53, %mul3A_2, %dma_start3A_67] : memref<200x4096x128xf32, #tpu.memory_space<hbm>> -> memref<1x128x128xf32, #tpu.memory_space<hbm>>
      %dma_start3A_69 = tpu.memref_squeeze %dma_start3A_68 : memref<1x128x128xf32, #tpu.memory_space<hbm>> -> memref<128x128xf32, #tpu.memory_space<hbm>>
      %dma_start3A_70 = arith.constant 0 : i32
      %dma_start3A_71 = tpu.memref_slice %arg4[%add3A_53, %mul3A_2, %dma_start3A_70] : memref<200x4096x128xf32, #tpu.memory_space<hbm>> -> memref<1x128x128xf32, #tpu.memory_space<hbm>>
      %dma_start3A_72 = tpu.memref_squeeze %dma_start3A_71 : memref<1x128x128xf32, #tpu.memory_space<hbm>> -> memref<128x128xf32, #tpu.memory_space<hbm>>
      tpu.enqueue_dma source(%arg7 : memref<128x128xf32, #tpu.memory_space<vmem>>) target(%dma_start3A_72 : memref<128x128xf32, #tpu.memory_space<hbm>>) target_semaphore(%arg11 : memref<!tpu.dma_semaphore, #tpu.memory_space<semaphore_mem>>)
      %scan3A_73 = arith.constant 0 : i32
      scf.yield %scan3A_73 : i32
    }
    %scan3A_14 = arith.constant 100 : i32
    %dma_wait3A = arith.constant 0 : i32
    %dma_wait3A_15 = arith.constant 0 : i32
    %dma_wait3A_16 = tpu.memref_slice %arg4[%dma_wait3A, %mul3A_2, %dma_wait3A_15] : memref<200x4096x128xf32, #tpu.memory_space<hbm>> -> memref<1x128x128xf32, #tpu.memory_space<hbm>>
    %dma_wait3A_17 = tpu.memref_squeeze %dma_wait3A_16 : memref<1x128x128xf32, #tpu.memory_space<hbm>> -> memref<128x128xf32, #tpu.memory_space<hbm>>
    %dma_wait3A_18 = arith.constant 0 : i32
    %dma_wait3A_19 = tpu.memref_slice %arg4[%dma_wait3A, %mul3A_2, %dma_wait3A_18] : memref<200x4096x128xf32, #tpu.memory_space<hbm>> -> memref<1x128x128xf32, #tpu.memory_space<hbm>>
    %dma_wait3A_20 = tpu.memref_squeeze %dma_wait3A_19 : memref<1x128x128xf32, #tpu.memory_space<hbm>> -> memref<128x128xf32, #tpu.memory_space<hbm>>
    tpu.wait_dma2 semaphore(%arg10 : memref<!tpu.dma_semaphore, #tpu.memory_space<semaphore_mem>>) src(%arg6 : memref<128x128xf32, #tpu.memory_space<vmem>>) dst(%dma_wait3A_20 : memref<128x128xf32, #tpu.memory_space<hbm>>)
    %dma_wait3A_21 = arith.constant 0 : i32
    %dma_wait3A_22 = arith.constant 0 : i32
    %dma_wait3A_23 = tpu.memref_slice %arg4[%dma_wait3A_21, %mul3A_2, %dma_wait3A_22] : memref<200x4096x128xf32, #tpu.memory_space<hbm>> -> memref<1x128x128xf32, #tpu.memory_space<hbm>>
    %dma_wait3A_24 = tpu.memref_squeeze %dma_wait3A_23 : memref<1x128x128xf32, #tpu.memory_space<hbm>> -> memref<128x128xf32, #tpu.memory_space<hbm>>
    %dma_wait3A_25 = arith.constant 0 : i32
    %dma_wait3A_26 = tpu.memref_slice %arg4[%dma_wait3A_21, %mul3A_2, %dma_wait3A_25] : memref<200x4096x128xf32, #tpu.memory_space<hbm>> -> memref<1x128x128xf32, #tpu.memory_space<hbm>>
    %dma_wait3A_27 = tpu.memref_squeeze %dma_wait3A_26 : memref<1x128x128xf32, #tpu.memory_space<hbm>> -> memref<128x128xf32, #tpu.memory_space<hbm>>
    tpu.wait_dma2 semaphore(%arg11 : memref<!tpu.dma_semaphore, #tpu.memory_space<semaphore_mem>>) src(%arg7 : memref<128x128xf32, #tpu.memory_space<vmem>>) dst(%dma_wait3A_27 : memref<128x128xf32, #tpu.memory_space<hbm>>)
    return
  }
}

module attributes {stable_mosaic.version = 14 : i64} {
  func.func @_tpose_in_kernel(%arg0: i32, %arg1: memref<64x8192xf32, #tpu.memory_space<vmem>>, %arg2: memref<8192x128xf32, #tpu.memory_space<vmem>>) attributes {dimension_semantics = [#tpu.dimension_semantics<arbitrary>], iteration_bounds = array<i64: 123>, scalar_prefetch = 0 : i64, scratch_operands = 0 : i64, tpu.core_type = #tpu.core_type<tc>, window_params = [{transform_indices = @transform_0, window_bounds = array<i64: 64, 8192>}, {transform_indices = @transform_1, window_bounds = array<i64: 8192, 128>}]} {
    %get3A = arith.constant 0 : index
    %get3A_0 = arith.constant 0 : index
    %get3A_1 = vector.load %arg1[%get3A, %get3A_0] : memref<64x8192xf32, #tpu.memory_space<vmem>>, vector<64x8192xf32>
    %transpose3A = tpu.transpose %get3A_1, [1, 0] : vector<64x8192xf32> -> vector<8192x64xf32>
    %swap3A = arith.constant 0 : index
    %swap3A_2 = arith.constant 0 : index
    %swap3A_3 = vector.load %arg2[%swap3A, %swap3A_2] : memref<8192x128xf32, #tpu.memory_space<vmem>>, vector<8192x64xf32>
    tpu.vector_store %arg2[%swap3A, %swap3A_2], %transpose3A {strides = array<i32>} : memref<8192x128xf32, #tpu.memory_space<vmem>>, vector<8192x64xf32>,
    return
  }
  func.func @transform_0(%arg0: i32) -> (i32, i32) {
    %c0_i32 = arith.constant 0 : i32
    %c0_i32_0 = arith.constant 0 : i32
    return %c0_i32, %arg0 : i32, i32
  }
  func.func @transform_1(%arg0: i32) -> (i32, i32) {
    %c0_i32 = arith.constant 0 : i32
    %c0_i32_0 = arith.constant 0 : i32
    return %arg0, %c0_i32 : i32, i32
  }
}

module attributes {stable_mosaic.version = 14 : i64} {
  func.func @_tpose_out_kernel(%arg0: i32, %arg1: i32, %arg2: memref<1x2048x128xf32, #tpu.memory_space<vmem>>, %arg3: memref<1x64x2048xf32, #tpu.memory_space<vmem>>) attributes {dimension_semantics = [#tpu.dimension_semantics<arbitrary>, #tpu.dimension_semantics<arbitrary>], iteration_bounds = array<i64: 200, 2>, scalar_prefetch = 0 : i64, scratch_operands = 0 : i64, tpu.core_type = #tpu.core_type<tc>, window_params = [{transform_indices = @transform_0, window_bounds = array<i64: 1, 2048, 128>}, {transform_indices = @transform_1, window_bounds = array<i64: 1, 64, 2048>}]} {
    %get3A = arith.constant 0 : index
    %get3A_0 = arith.constant 0 : index
    %get3A_1 = arith.constant 0 : index
    %get3A_2 = vector.load %arg2[%get3A, %get3A_0, %get3A_1] : memref<1x2048x128xf32, #tpu.memory_space<vmem>>, vector<1x2048x128xf32>
    %get3A_3 = vector.shape_cast %get3A_2 : vector<1x2048x128xf32> to vector<2048x128xf32>
    %slice3A = vector.extract_strided_slice %get3A_3 {offsets = [0, 0], sizes = [2048, 64], strides = [1, 1]} : vector<2048x128xf32> to vector<2048x64xf32>
    %transpose3A = tpu.transpose %slice3A, [1, 0] : vector<2048x64xf32> -> vector<64x2048xf32>
    %mul3A = arith.constant 8.000000e+00 : f32
    %mul3A_4 = vector.broadcast %mul3A : f32 to vector<64x2048xf32>
    %mul3A_5 = arith.mulf %transpose3A, %mul3A_4 : vector<64x2048xf32>
    %swap3A = arith.constant 0 : index
    %swap3A_6 = arith.constant 0 : index
    %swap3A_7 = arith.constant 0 : index
    %swap3A_8 = vector.load %arg3[%swap3A, %swap3A_6, %swap3A_7] : memref<1x64x2048xf32, #tpu.memory_space<vmem>>, vector<1x64x2048xf32>
    %swap3A_9 = vector.shape_cast %swap3A_8 : vector<1x64x2048xf32> to vector<64x2048xf32>
    %swap3A_10 = vector.shape_cast %mul3A_5 : vector<64x2048xf32> to vector<1x64x2048xf32>
    tpu.vector_store %arg3[%swap3A, %swap3A_6, %swap3A_7], %swap3A_10 {strides = array<i32>} : memref<1x64x2048xf32, #tpu.memory_space<vmem>>, vector<1x64x2048xf32>,
    return
  }
  func.func @transform_0(%arg0: i32, %arg1: i32) -> (i32, i32, i32) {
    %c0_i32 = arith.constant 0 : i32
    %c0_i32_0 = arith.constant 0 : i32
    return %arg0, %arg1, %c0_i32 : i32, i32, i32
  }
  func.func @transform_1(%arg0: i32, %arg1: i32) -> (i32, i32, i32) {
    %c0_i32 = arith.constant 0 : i32
    %c0_i32_0 = arith.constant 0 : i32
    return %arg0, %c0_i32, %arg1 : i32, i32, i32
  }
}

</mosaic_0001>

<sc_bundles>
// kernel: kernel.5.cloned.1.call-start
scs
__scs_entry_jumppad:
0x0: {  	(pc) =	sbr.rel $0x88, $3  }
0x1: {  	(tag) =	ssettag $0x0;
	lr =	simm.s32 $0x1  }
0x2: {  	[smem:$0x3F9F] =	sst lr;
	_ =	strace $0xD0000000  }
0x3: {  	_ = 	snop  }
0x4: {  	_ = 	snop  }
0x5: {  	_ = 	snop  }
0x6: {  	_ = 	snop  }
0x7: {  	_ = 	snop  }
__scs_overlays_trampoline_lowered:
0x8: {  	[smem:$0x3FAE] =	sst s0  }
0x9: {  	[smem:$0x3FAF] =	sst s1  }
0xa: {  	[smem:$0x3FB0] =	sst s2  }
0xb: {  	[smem:$0x3FB1] =	sst s3  }
0xc: {  	[smem:$0x3FB2] =	sst s4  }
0xd: {  	[smem:$0x3FB3] =	sst s5  }
0xe: {  	[smem:$0x3FB4] =	sst s6  }
0xf: {  	[smem:$0x3FB5] =	sst s7  }
0x10: {  	[smem:$0x3FB6] =	sst s8  }
0x11: {  	[smem:$0x3FB7] =	sst s9;
	s0 =	simm.s32 @!p0 $0x0  }
0x12: {  	s1 =	sld [smem:$0x3F9D];
	s0 =	simm.s32 @p0 $0x1  }
0x13: {  	[smem:$0x3FB8] =	sst s0;
	s0 =	simm.s32 @!p1 $0x0  }
0x14: {  	s2 =	sld [smem:$0x3F9C];
	s0 =	simm.s32 @p1 $0x1  }
0x15: {  	[smem:$0x3FB9] =	sst s0;
	s0 =	simm.s32 @!p2 $0x0  }
0x16: {  	s3 =	sld [smem:$0x3FDB];
	s0 =	simm.s32 @p2 $0x1  }
0x17: {  	s4 =	simm.s32 $0x1BF5;
	[smem:$0x3FBB] =	sst s0  }
0x18: {  	s0 =	sld [smem:$0x3F9E];
	_ =	swait.ge [sflag:s4], $0x0  }
0x19: {  	s7 =	sld [smem:$0x3F9F]  }
0x1a: {  	s8 =	sadd.s32 $0xFFFFE003, lr  }
0x1b: {  	s9 =	sadd.s32 $0xFFFFFEF7, lr;
	s5 =	simm.s32 $0xFFFFFFFF;
	p2 =	slt.u32 s8, $0xFFFFF086  }
0x1c: {  	p1 =	slt.u32 s9, $0xF7A;
	s5 =	simm.s32 @!p2 $0x0  }
0x1d: {  	s5 =	simm.s32 @p1 $0x1;
	p0 =	seq.s32 s7, s2  }
0x1e: {  	s7 =	smul.u32 @!p0 $0xF7A, s2;
	p2 =	seq.s32 @!p0 s5, $0x0  }
0x1f: {  	s9 =	smul.u32 $0xF7A, s1;
	s8 =	simm.s32 @!p0 $0x1BF5;
	p2 =	por !p2, p0  }
0x20: {  	[sflag:s8] =	ssyncset.s32 @!p0 $0xFFFFF086;
	s6 =	sadd.s32 @!p0 s3, s7;
	s7 =	simm.s32 @!p0 $0x108  }
0x21: {  	s3 =	sadd.s32 s3, s9;
	s6 =	sadd.s32 @!p0 $0x88, s6;
	s7 =	simm.s32 @p2 $0x1082  }
0x22: {  	[simem:s7], [sflag:s8] =	dma.local @!p0 [hbm:s6], $0xF7A  }
0x23: {  	s9 =	sor.u32 $0xD0000000, s2;
	s6 =	simm.s32 $0x108;
	_ =	swait.ge @!p0 [sflag:s8], $0x0  }
0x24: {  	s3 =	sadd.s32 $0x88, s3;
	s6 =	simm.s32 @!p1 $0x1082;
	[sflag:s4] =	ssyncset.s32 $0xFFFFF086  }
0x25: {  	[simem:s6], [sflag:s4] =	dma.local [hbm:s3], $0xF7A  }
0x26: {  	[smem:$0x3F9F] =	sst s1;
	(tag) =	ssettag s2;
	_ =	strace s9  }
0x27: {  	s1 =	sld [smem:$0x3FAF]  }
0x28: {  	s2 =	sld [smem:$0x3FB0]  }
0x29: {  	s4 =	sld [smem:$0x3FB2]  }
0x2a: {  	p0 =	seq.s32 s5, $0x0;
	s5 =	sld [smem:$0x3FB3]  }
0x2b: {  	s6 =	sld [smem:$0x3FB4]  }
0x2c: {  	s7 =	sld [smem:$0x3FB5]  }
0x2d: {  	s3 =	simm.s32 $0x108;
	s8 =	sld [smem:$0x3FB6]  }
0x2e: {  	s3 =	simm.s32 @!p0 $0x1082;
	s9 =	sld [smem:$0x3FB7]  }
0x2f: {  	lr =	sadd.s32 s0, s3;
	s0 =	sld [smem:$0x3FAE]  }
0x30: {  	s3 =	sld [smem:$0x3FB1]  }
0x31: {  	[smem:$0x3FBA] =	sst s10  }
0x32: {  	s10 =	sld [smem:$0x3FB8];
	_ =	sdelay $0x3  }
0x33: {  	p0 =	seq.s32 s10, $0x1;
	s10 =	sld [smem:$0x3FBA];
	_ =	sdelay $0x3  }
0x34: {  	[smem:$0x3FBA] =	sst s10  }
0x35: {  	s10 =	sld [smem:$0x3FB9];
	_ =	sdelay $0x3  }
0x36: {  	p1 =	seq.s32 s10, $0x1;
	s10 =	sld [smem:$0x3FBA];
	_ =	sdelay $0x3  }
0x37: {  	[smem:$0x3FBA] =	sst s10  }
0x38: {  	s10 =	sld [smem:$0x3FBB]  }
0x39: {  	_ = 	snop;
	(pc) =	sbr.ind lr, $3  }
0x3a: {  	_ = 	snop  }
0x3b: {  	_ = 	snop  }
0x3c: {  	p2 =	seq.s32 s10, $0x1;
	s10 =	sld [smem:$0x3FBA]  }
0x3d: {  	_ =	shalt  }
0x3e: {  	_ =	shalt  }
0x3f: {  	_ =	shalt  }
0x40: {  	_ =	shalt  }
0x41: {  	_ =	shalt  }
0x42: {  	_ =	shalt  }
0x43: {  	_ =	shalt  }
0x44: {  	_ =	shalt  }
0x45: {  	_ =	shalt  }
0x46: {  	_ =	shalt  }
0x47: {  	_ =	shalt  }
0x48: {  	_ =	shalt  }
0x49: {  	_ =	shalt  }
0x4a: {  	_ =	shalt  }
0x4b: {  	_ =	shalt  }
0x4c: {  	_ =	shalt  }
0x4d: {  	_ =	shalt  }
0x4e: {  	_ =	shalt  }
0x4f: {  	_ =	shalt  }
0x50: {  	_ =	shalt  }
0x51: {  	_ =	shalt  }
0x52: {  	_ =	shalt  }
0x53: {  	_ =	shalt  }
0x54: {  	_ =	shalt  }
0x55: {  	_ =	shalt  }
0x56: {  	_ =	shalt  }
0x57: {  	_ =	shalt  }
0x58: {  	_ =	shalt  }
0x59: {  	_ =	shalt  }
0x5a: {  	_ =	shalt  }
0x5b: {  	_ =	shalt  }
0x5c: {  	_ =	shalt  }
0x5d: {  	_ =	shalt  }
0x5e: {  	_ =	shalt  }
0x5f: {  	_ =	shalt  }
0x60: {  	_ =	shalt  }
0x61: {  	_ =	shalt  }
0x62: {  	_ =	shalt  }
0x63: {  	_ =	shalt  }
0x64: {  	_ =	shalt  }
0x65: {  	_ =	shalt  }
0x66: {  	_ =	shalt  }
0x67: {  	_ =	shalt  }
0x68: {  	_ =	shalt  }
0x69: {  	_ =	shalt  }
0x6a: {  	_ =	shalt  }
0x6b: {  	_ =	shalt  }
0x6c: {  	_ =	shalt  }
0x6d: {  	_ =	shalt  }
0x6e: {  	_ =	shalt  }
0x6f: {  	_ =	shalt  }
0x70: {  	_ =	shalt  }
0x71: {  	_ =	shalt  }
0x72: {  	_ =	shalt  }
0x73: {  	_ =	shalt  }
0x74: {  	_ =	shalt  }
0x75: {  	_ =	shalt  }
0x76: {  	_ =	shalt  }
0x77: {  	_ =	shalt  }
0x78: {  	_ =	shalt  }
0x79: {  	_ =	shalt  }
0x7a: {  	_ =	shalt  }
0x7b: {  	_ =	shalt  }
0x7c: {  	_ =	shalt  }
0x7d: {  	_ =	shalt  }
0x7e: {  	_ =	shalt  }
0x7f: {  	_ =	shalt  }
0x80: {  	_ =	shalt  }
0x81: {  	_ =	shalt  }
0x82: {  	_ =	shalt  }
0x83: {  	_ =	shalt  }
0x84: {  	_ =	shalt  }
0x85: {  	_ =	shalt  }
0x86: {  	_ =	shalt  }
0x87: {  	_ =	shalt  }
.Lfunc_end0:
.L_simem_size_0:
called_computation_lowered:
.L_overlay_start_0:
0x88: {  	s2 =	sld [smem:$0x3FD9]  }
0x89: {  	s3 =	sld [smem:$0x3FFE];
	_ =	sdelay $0x1  }
0x8a: {  	s1 =	srdreg.scid  }
0x8b: {  	s0 =	sand.u32 $0x1, s1  }
0x8c: {  	s17 =	sshll.u32 s0, $0xA;
	s2 =	sadd.s32 s3, s2  }
0x8d: {  	s2 =	sadd.s32 s2, s17  }
0x8e: {  	[smem:$0x3FC6] =	sst s2  }
0x8f: {  	_ = 	snop  }
0x90: {  	s2 =	sld [smem:$0x3FC9];
	(tm) =	ssettm $0x1  }
0x91: {  	s18 =	sld [smem:$0x3FFB];
	_ =	sdelay $0x3  }
0x92: {  	_ =	strace s18  }
0x93: {  	s3 =	sld [smem:$0x3FFC];
	_ =	sdelay $0x3  }
0x94: {  	_ =	strace s3  }
0x95: {  	s3 =	sld [smem:$0x3FFD];
	_ =	sdelay $0x3  }
0x96: {  	_ =	strace s3  }
0x97: {  	_ =	strace $0x8FFFFFFF  }
0x98: {  	s19 =	sld [smem:$0x3FDB];
	_ =	sdelay $0x1  }
0x99: {  	s4 =	simm.s32 $_scs_section_size  }
0x9a: {  	s5 =	simm.s32 $_size__tile_overlayer_lowered;
	s6 =	simm.s32 $_tile_overlayer_lowered  }
0x9b: {  	s22 =	simm.s32 $0x1BFF;
	s21 =	sshll.u32 s6, $0x1;
	s3 =	sadd.s32 s4, s19  }
0x9c: {  	s7 =	simm.s32 $0x0;
	s20 =	sshll.u32 s5, $0x1;
	s5 =	sadd.s32 s21, s3  }
0x9d: {  	[timem:s7], [sflag:s22] =	dma.local [hbm:s5], s20  }
0x9e: {  	_ =	swait.ge [sflag:s22], s20  }
0x9f: {  	s4 =	ssub.s32 $0x0, s20;
	[sflag:s22] =	ssyncset.done $0x0  }
0xa0: {  	[sflag:s22] =	ssyncadd.s32 s4;
	_ =	sdelay $0x1  }
0xa1: {  	s23 =	simm.s32 $0x1B8B  }
0xa2: {  	_ =	swait.ge [sflag:s23], $0x1  }
0xa3: {  	[sflag:s23] =	ssyncset.done $0x0  }
0xa4: {  	s25 =	simm.s32 $0x1B8E;
	s24 =	sld [smem:$0x3FFE];
	[sflag:s23] =	ssyncadd.s32 $0xFFFFFFFF  }
0xa5: {  	s26 =	simm.s32 $execute0_lowered;
	[smem:$0x3FD2] =	sst s25  }
0xa6: {  	s5 =	sshll.u32 s26, $0x1;
	_ =	strace $0x80000046;
	[dreg:$0x1] =	wrdreg $0xFFFFFFFF  }
0xa7: {  	s28 =	simm.s32 $_size_execute0_lowered;
	s3 =	sadd.s32 s3, s5;
	[dreg:$0x0] =	wrdreg $0x0  }
0xa8: {  	s5 =	sshll.u32 s28, $0x1;
	[dreg:$0x2] =	wrdreg s3  }
0xa9: {  	[dreg:$0x3] =	wrdreg s5  }
0xaa: {  	[dreg:$0x4] =	wrdreg $0xC0  }
0xab: {  	_ =	task [dreg:s7], $0x5FFFF  }
0xac: {  	[dreg:$0x1] =	wrdreg $0xFFFFFFFF  }
0xad: {  	[dreg:$0x0] =	wrdreg $0x60  }
0xae: {  	[dreg:$0x2] =	wrdreg s2  }
0xaf: {  	[dreg:$0x3] =	wrdreg s24  }
0xb0: {  	[dreg:$0x4] =	wrdreg $0x9  }
0xb1: {  	_ =	task.clear_ibuf [dreg:s7], $0x5FFFF;
	_ =	strace $0x90000046  }
0xb2: {  	s29 =	simm.s32 $0x9;
	_ =	strace $0x80000048  }
0xb3: {  	_ =	swait.ge [sflag:s29], $0x1  }
0xb4: {  	[sflag:s29] =	ssyncadd.s32 $0xFFFFFFFF  }
0xb5: {  	_ =	strace $0x90000048  }
0xb6: {  	_ =	sfence  }
0xb7: {  	s30 =	sld [smem:$0x0];
	_ =	sdelay $0x2  }
0xb8: {  	s31 =	sshll.u32 s1, $0xD;
	s1 =	sshrl.u32 s1, $0x2  }
0xb9: {  	s3 =	sand.u32 $0x4000, s31;
	s1 =	sadd.s32 s1, s30  }
0xba: {  	s0 =	sor.u32 s3, s0;
	s1 =	sshll.u32 s1, $0x11  }
0xbb: {  	s0 =	sor.u32 s1, s0  }
0xbc: {  	s0 =	sadd.s32 $0x8F2B, s0  }
0xbd: {  	[sflag:s0] =	ssyncadd.remote.s32 $0x1  }
0xbe: {  	_ =	sfence.sel $0xFFFF  }
0xbf: {  	[dreg:$0x0] =	wrdreg $0xFFFFFFFF;
	(pc) =	sbr.abs _section_cstart, $3  }
0xc0: {  	[dreg:$0x1] =	wrdreg $0xFFFFFFFF  }
0xc1: {  	_ =	task.clear_ibuf [dreg:s7], $0x2FFFF;
	_ =	strace $0x9FFFFFFF  }
0xc2: {  	(tm) =	ssettm $0x7FFFFFFF  }
0xc3: {  	_ =	shalt  }
tec
execute0_lowered:
.L_overlay_start_1:
0x0: {  	(tag) =	ssettag $0x1  }
0x1: {  	s5 =	rddreg [dreg:$0x0]  }
0x2: {  	s4 =	rddreg [dreg:$0x1]  }
0x3: {  	s0 =	rddreg [dreg:$0x2];
	s1 =	simm.s32 $0x0;
	s2 =	srdreg.scid  }
0x4: {  	s13 =	simm.s32 $0x400;
	s14 =	simm.s32 $0x8000;
	s15 =	simm.s32 $0x5  }
0x5: {  	s16 =	simm.s32 $0x80;
	s17 =	simm.s32 $0x6400;
	s18 =	simm.s32 $0xA400  }
0x6: {  	s19 =	simm.s32 $0x1;
	s20 =	simm.s32 $0x3;
	s21 =	simm.s32 $0x100  }
0x7: {  	s22 =	simm.s32 $0x2;
	s23 =	simm.s32 $0x4;
	s24 =	simm.s32 $0x6380  }
0x8: {  	s25 =	simm.s32 $0x0;
	[smem:$0x7FF] =	sst s1;
	s6 =	sand.u32 $0x1, s2  }
0x9: {  	s3 =	sadd.s32 $0x400, s4;
	s2 =	stileid.u32;
	s4 =	sadd.s32 $0xF42800, s4  }
0xa: {  	_ =	strace $0x80000047;
	s7 =	ssub.s32 $0x2, s6;
	s9 =	sshll.u32 s2, $0x8  }
0xb: {  	s10 =	sshll.u32 s6, $0x7;
	s31 =	sshll.u32 s2, $0xF;
	s11 =	sshll.u32 s6, $0xE  }
0xc: {  	s8 =	sshrl.u32 s7, $0x1;
	s30 =	sor.u32 s10, s9;
	s11 =	sor.u32 s11, s31  }
0xd: {  	s7 =	ssub.s32 s7, s8;
	s9 =	sshll.u32 s30, $0x4;
	s5 =	sadd.s32 s5, s30  }
0xe: {  	s12 =	sor.u32 $0x180000, s11;
	s11 =	sor.u32 $0x100000, s11;
	s6 =	sadd.s32 s4, s9  }
0xf: {  	s7 =	smax.u32 s7, $0x1;
	s12 =	sshrl.u32 s12, $0x3;
	s8 =	sadd.s32 $0x10000, s6  }
0x10: {  	s9 =	sadd.s32 $0xC60000, s6;
	s10 =	sadd.s32 $0xC70000, s6;
	s12 =	sadd.s32 s12, s4  }
.LBB2_1:
0x11: {  	[tilespmem:s1], [sflag:$0x5] =	stream.strided.gather [hbm4b:s5+s13], $0x6400, s14, s13, $0x38;
	[tilespmem:$0xE400] =	vst v63  }
0x12: {  	_ =	swait.ge [sflag:s15], $0x6400  }
0x13: {  	[sflag:s15] =	ssyncset.done $0x0  }
0x14: {  	[sflag:s15] =	ssyncadd.s32 $0xFFFF9C00  }
0x15: {  	[tilespmem:s17], [sflag:$0x1] =	stream.indirect.gather [hbm4b:s3+s16], $0x80, s1, s16, $0xb8;
	[tilespmem:$0xE400] =	vst v63  }
0x16: {  	_ = 	snop  }
0x17: {  	[tilespmem:s18], [sflag:$0x2] =	stream.indirect.gather [hbm4b:s3+s16], $0x80, s16, s16, $0xb8;
	[tilespmem:$0xE400] =	vst v63  }
0x18: {  	_ =	swait.ge [sflag:s19], $0x4000  }
0x19: {  	[sflag:s19] =	ssyncset.done $0x0  }
0x1a: {  	[sflag:s19] =	ssyncadd.s32 $0xFFFFC000  }
0x1b: {  	[hbm4b:s6+s1] =	stream.linear.scatter [tilespmem:s17], [sflag:$0x3], $0x4000, $0x38;
	[tilespmem:$0xE400] =	vst v63  }
0x1c: {  	_ =	swait.ge [sflag:s20], $0x4000  }
0x1d: {  	[sflag:s20] =	ssyncset.done $0x0  }
0x1e: {  	[sflag:s20] =	ssyncadd.s32 $0xFFFFC000  }
0x1f: {  	[tilespmem:s17], [sflag:$0x1] =	stream.indirect.gather [hbm4b:s3+s16], $0x80, s21, s16, $0xb8;
	[tilespmem:$0xE400] =	vst v63  }
0x20: {  	_ =	swait.ge [sflag:s22], $0x4000  }
0x21: {  	[sflag:s22] =	ssyncset.done $0x0  }
0x22: {  	[sflag:s22] =	ssyncadd.s32 $0xFFFFC000  }
0x23: {  	[hbm4b:s8+s1] =	stream.linear.scatter [tilespmem:s18], [sflag:$0x4], $0x4000, $0x38;
	[tilespmem:$0xE400] =	vst v63  }
0x24: {  	_ =	swait.ge [sflag:s23], $0x4000  }
0x25: {  	[sflag:s23] =	ssyncset.done $0x0  }
0x26: {  	s26 =	simm.s32 $0x180;
	[sflag:s23] =	ssyncadd.s32 $0xFFFFC000  }
0x27: {  	[tilespmem:s18], [sflag:$0x2] =	stream.indirect.gather [hbm4b:s3+s16], $0x80, s26, s16, $0xb8;
	[tilespmem:$0xE400] =	vst v63  }
0x28: {  	_ =	swait.ge [sflag:s19], $0x4000  }
0x29: {  	s31 =	sshrl.u32 s11, $0x3;
	[sflag:s19] =	ssyncset.done $0x0  }
0x2a: {  	s26 =	sadd.s32 s4, s31;
	[sflag:s19] =	ssyncadd.s32 $0xFFFFC000  }
0x2b: {  	[hbm4b:s26+s1] =	stream.linear.scatter [tilespmem:s17], [sflag:$0x3], $0x4000, $0x38;
	[tilespmem:$0xE400] =	vst v63  }
0x2c: {  	_ =	swait.ge [sflag:s20], $0x4000  }
0x2d: {  	[sflag:s20] =	ssyncset.done $0x0  }
0x2e: {  	s31 =	simm.s32 $0x200;
	[sflag:s20] =	ssyncadd.s32 $0xFFFFC000  }
0x2f: {  	[tilespmem:s17], [sflag:$0x1] =	stream.indirect.gather [hbm4b:s3+s16], $0x80, s31, s16, $0xb8;
	[tilespmem:$0xE400] =	vst v63  }
0x30: {  	_ =	swait.ge [sflag:s22], $0x4000  }
0x31: {  	s28 =	sadd.s32 $0x100000, s11;
	s30 =	sadd.s32 $0x0, s12;
	[sflag:s22] =	ssyncset.done $0x0  }
0x32: {  	s29 =	simm.s32 $0x300;
	s26 =	simm.s32 $0x20000;
	[sflag:s22] =	ssyncadd.s32 $0xFFFFC000  }
.LBB2_2:
0x33: {  	[hbm4b:s30+s1] =	stream.linear.scatter [tilespmem:s18], [sflag:$0x4], $0x4000, $0x38;
	[tilespmem:$0xE400] =	vst v63  }
0x34: {  	s30 =	smov.u32 s26  }
0x35: {  	p0 =	sne.s32 s26, $0xC20000;
	s26 =	sadd.s32 $0x20000, s26;
	_ =	swait.ge [sflag:s23], $0x4000  }
0x36: {  	[sflag:s23] =	ssyncset.done $0x0  }
0x37: {  	s31 =	sadd.s32 $0xFFFFFF80, s29;
	[sflag:s23] =	ssyncadd.s32 $0xFFFFC000  }
0x38: {  	[tilespmem:s18], [sflag:$0x2] =	stream.indirect.gather [hbm4b:s3+s16], $0x80, s31, s16, $0xb8;
	[tilespmem:$0xE400] =	vst v63  }
0x39: {  	_ =	swait.ge [sflag:s19], $0x4000  }
0x3a: {  	s31 =	sshrl.u32 s28, $0x3;
	[sflag:s19] =	ssyncset.done $0x0  }
0x3b: {  	s31 =	sadd.s32 s4, s31;
	[sflag:s19] =	ssyncadd.s32 $0xFFFFC000  }
0x3c: {  	[hbm4b:s31+s1] =	stream.linear.scatter [tilespmem:s17], [sflag:$0x3], $0x4000, $0x38;
	[tilespmem:$0xE400] =	vst v63  }
0x3d: {  	_ =	swait.ge [sflag:s20], $0x4000  }
0x3e: {  	[sflag:s20] =	ssyncset.done $0x0  }
.Ltmp0:
0x3f: {  	[sflag:s20] =	ssyncadd.s32 $0xFFFFC000;
	(pc) =	sbr.rel @p0 .LBB2_2-.Ltmp0, $4  }
0x40: {  	[tilespmem:s17], [sflag:$0x1] =	stream.indirect.gather [hbm4b:s3+s16], $0x80, s29, s16, $0xb8;
	[tilespmem:$0xE400] =	vst v63  }
0x41: {  	_ =	swait.ge [sflag:s22], $0x4000  }
0x42: {  	s28 =	sadd.s32 $0x100000, s28;
	[sflag:s22] =	ssyncset.done $0x0  }
0x43: {  	s30 =	sadd.s32 s30, s12;
	s29 =	sadd.s32 $0x100, s29;
	[sflag:s22] =	ssyncadd.s32 $0xFFFFC000  }
0x44: {  	[hbm4b:s30+s1] =	stream.linear.scatter [tilespmem:s18], [sflag:$0x4], $0x4000, $0x38;
	[tilespmem:$0xE400] =	vst v63  }
0x45: {  	_ =	swait.ge [sflag:s23], $0x4000  }
0x46: {  	[sflag:s23] =	ssyncset.done $0x0  }
0x47: {  	[sflag:s23] =	ssyncadd.s32 $0xFFFFC000  }
0x48: {  	[tilespmem:s18], [sflag:$0x2] =	stream.indirect.gather [hbm4b:s3+s16], $0x80, s24, s16, $0xb8;
	[tilespmem:$0xE400] =	vst v63  }
0x49: {  	_ =	swait.ge [sflag:s19], $0x4000  }
0x4a: {  	[sflag:s19] =	ssyncset.done $0x0  }
0x4b: {  	[sflag:s19] =	ssyncadd.s32 $0xFFFFC000  }
0x4c: {  	[hbm4b:s9+s1] =	stream.linear.scatter [tilespmem:s17], [sflag:$0x3], $0x4000, $0x38;
	[tilespmem:$0xE400] =	vst v63  }
0x4d: {  	_ =	swait.ge [sflag:s22], $0x4000  }
0x4e: {  	[sflag:s22] =	ssyncset.done $0x0  }
0x4f: {  	s25 =	sadd.s32 $0x1, s25;
	[sflag:s22] =	ssyncadd.s32 $0xFFFFC000  }
0x50: {  	[hbm4b:s10+s1] =	stream.linear.scatter [tilespmem:s18], [sflag:$0x4], $0x4000, $0x38;
	[tilespmem:$0xE400] =	vst v63  }
0x51: {  	p0 =	sne.s32 s25, s7;
	_ =	swait.ge [sflag:s20], $0x4000  }
.Ltmp1:
0x52: {  	[sflag:s20] =	ssyncset.done $0x0;
	(pc) =	sbr.rel @p0 .LBB2_1-.Ltmp1, $4  }
0x53: {  	[sflag:s20] =	ssyncadd.s32 $0xFFFFC000  }
0x54: {  	_ =	swait.ge [sflag:s23], $0x4000  }
0x55: {  	[sflag:s23] =	ssyncset.done $0x0  }
0x56: {  	[sflag:s23] =	ssyncadd.s32 $0xFFFFC000  }
0x57: {  	_ =	sfence.sel $0x180000  }
0x58: {  	[bflag:$0x0] =	sbarrier.arrive $0xFFFF  }
0x59: {  	p0 =	sne.s32 s2, $0x0;
	_ =	strace $0x90000047  }
0x5a: {  	s0 =	sadd.s32 @!p0 $0x100000, s0;
	[bflag:$0x2] =	sbarrier.arrive $0xFFFF  }
0x5b: {  	[sflag:s0] =	ssyncadd.tile.s32 @!p0 $0x1;
	_ =	shalt  }
.Lfunc_end2:
_tile_overlayer_lowered:
.L_overlay_start_2:
0x5c: {  	(tag) =	ssettag $0x2  }
0x5d: {  	s0 =	rddreg [dreg:$0x0];
	s2 =	stileid.u32  }
0x5e: {  	s1 =	rddreg [dreg:$0x1];
	p0 =	sne.s32 s2, $0x0  }
0x5f: {  	s3 =	rddreg [dreg:$0x2];
	[bflag:$0x3] =	sbarrier.arrive $0xFFFF;
	s2 =	simm.s32 @!p0 $0x1C05  }
0x60: {  	[timem:s3], [sflag:s2] =	dma.local @!p0 [hbm:s0], s1  }
0x61: {  	s0 =	simm.s32 @!p0 $0x5  }
0x62: {  	_ =	swait.ge @!p0 [sflag:s0], s1  }
0x63: {  	s1 =	ssub.s32 @!p0 $0x0, s1;
	[sflag:s0] =	ssyncset.done @!p0 $0x0  }
0x64: {  	[sflag:s0] =	ssyncadd.s32 @!p0 s1  }
0x65: {  	[bflag:$0x3] =	sbarrier.arrive $0xFFFF  }
0x66: {  	_ =	shalt  }

</sc_bundles>
